<compile_context>
chip_gen: v7x
topology: tpu7x:2x2x1
jax: 0.10.2.dev20260603
libtpu: 0.0.44.dev20260713+nightly
codegen_flags: <defaults>
</compile_context>

<pallas_src>
import functools

import jax
import jax.numpy as jnp
from jax import lax
from jax.experimental import pallas as pl
from jax.experimental.pallas import tpu as pltpu
from jax.experimental.pallas import tpu_sc as plsc

B = 16
N = 16384
S = 2048
L = 16
CHUNKS = N // L


def _fps_body(coords_hbm, out_hbm, coords_v, closest_v, out_v):
    c = lax.axis_index("c")
    s = lax.axis_index("s")
    b = c * 8 + s

    @pl.when(s < 8)
    def _run():
        pltpu.sync_copy(coords_hbm.at[b], coords_v.at[pl.ds(0, 3 * N)])

        inf16 = jnp.full((L,), jnp.inf, jnp.float32)

        def init_body(j, carry):
            closest_v[pl.ds(j * L, L)] = inf16
            return carry

        lax.fori_loop(0, CHUNKS, init_body, 0)

        iota = lax.broadcasted_iota(jnp.int32, (L,), 0)
        zeros_i = jnp.zeros((L,), jnp.int32)
        neg_inf16 = jnp.full((L,), -jnp.inf, jnp.float32)
        big_i = jnp.full((L,), jnp.int32(2147483647), jnp.int32)

        def gather_sel(sel):
            sx = coords_v[pl.ds(sel, L)][0]
            sy = coords_v[pl.ds(sel + N, L)][0]
            sz = coords_v[pl.ds(sel + 2 * N, L)][0]
            return sx, sy, sz

        K = 4

        def fps_step(i, carry):
            sx, sy, sz = carry
            sxv = jnp.full((L,), sx, jnp.float32)
            syv = jnp.full((L,), sy, jnp.float32)
            szv = jnp.full((L,), sz, jnp.float32)

            init_accs = tuple((neg_inf16, zeros_i) for _ in range(K))

            @plsc.parallel_loop(0, CHUNKS, step=K, carry=(init_accs, iota))
            def loop_out(j, inner):
                accs, idxv = inner
                new_accs = []
                for k in range(K):
                    maxv, maxi = accs[k]
                    base = (j + k) * L
                    x = coords_v[pl.ds(base, L)]
                    y = coords_v[pl.ds(N + base, L)]
                    z = coords_v[pl.ds(2 * N + base, L)]
                    dx = x - sxv
                    dy = y - syv
                    dz = z - szv
                    x2 = dx * dx
                    y2 = dy * dy
                    z2 = dz * dz
                    hi = jnp.maximum(x2, y2)
                    lo = jnp.minimum(x2, y2)
                    sm = hi + lo
                    e1 = lo - (sm - hi)
                    hi2 = jnp.maximum(sm, z2)
                    lo2 = jnp.minimum(sm, z2)
                    t = hi2 + lo2
                    e2 = lo2 - (t - hi2)
                    d = t + (e1 + e2)
                    cl = jnp.minimum(d, closest_v[pl.ds(base, L)])
                    closest_v[pl.ds(base, L)] = cl
                    m = cl > maxv
                    new_accs.append((jnp.maximum(cl, maxv),
                                     jnp.where(m, idxv + k * L, maxi)))
                return tuple(new_accs), idxv + K * L

            accs, _ = loop_out
            mxv = accs[0][0]
            for k in range(1, K):
                mxv = jnp.maximum(mxv, accs[k][0])
            mx = jnp.max(mxv)
            cand = big_i
            for k in range(K):
                maxv, maxi = accs[k]
                cand = jnp.minimum(cand, jnp.where(maxv == mx, maxi, big_i))
            sel = jnp.min(cand)
            nx, ny, nz = gather_sel(sel)
            nxv = jnp.full((L,), nx, jnp.float32)
            nyv = jnp.full((L,), ny, jnp.float32)
            nzv = jnp.full((L,), nz, jnp.float32)
            vals = jnp.where(iota == 0, nxv, jnp.where(iota == 1, nyv, nzv))
            plsc.store_compressed(out_v.at[pl.ds(3 * i, L)], vals, mask=iota < 3)
            return nx, ny, nz

        init_sel = gather_sel(jnp.int32(0))
        lax.fori_loop(0, S, fps_step, init_sel)

        pltpu.sync_copy(out_v.at[pl.ds(0, S * 3)], out_hbm.at[b])


@functools.partial(jax.jit, static_argnames=())
def _fps(coords_t):
    run = functools.partial(
        pl.kernel,
        out_type=jax.ShapeDtypeStruct((B, S * 3), jnp.float32),
        mesh=plsc.VectorSubcoreMesh(core_axis_name="c", subcore_axis_name="s"),
        compiler_params=pltpu.CompilerParams(needs_layout_passes=False),
        scratch_types=[
            pltpu.VMEM((3 * N + L,), jnp.float32),
            pltpu.VMEM((N,), jnp.float32),
            pltpu.VMEM((S * 3 + L,), jnp.float32),
        ],
    )(_fps_body)
    return run(coords_t)


def kernel(point_coord, features):
    del features
    coords_t = jnp.transpose(point_coord, (0, 2, 1)).reshape(B, 3 * N)
    out_flat = _fps(coords_t)
    return out_flat.reshape(B, S, 3)

# --- scband reference (transcript-rebuilt; emitter-appended) ---
"""Pipeline reference for scband-set-abstraction-layer-89979564851532 (READ-ONLY COPY).

The authoritative reference and input builder live on the scoring server;
editing this copy changes nothing except your own understanding.
"""

import jax, jax.numpy as jnp
import numpy as np

NUM_SAMPLE = 2048


def setup_inputs(seed: int = 0) -> dict:
    key = jax.random.key(seed)
    k1, k2 = jax.random.split(key)
    point_coord = jax.random.normal(k1, (16, 16384, 3), dtype=jnp.float32)
    features = jax.random.normal(k2, (16, 16384, 64), dtype=jnp.float32)
    return {"point_coord": point_coord, "features": features}


def _fps_single(coords, num_sample):
    # Faithful port of farthestPointSampling for one batch element.
    # The torch version seeds with a random start index; we use a fixed
    # start index 0 (it is overwritten at iteration 0 anyway, it only
    # seeds the first distance computation).
    N = coords.shape[0]

    def body(i, state):
        closest, sel, sample_idx = state
        d = jnp.sum((coords[sel] - coords) ** 2, axis=-1)
        closest = jnp.minimum(d, closest)
        new_sel = jnp.argmax(closest).astype(jnp.int32)
        sample_idx = sample_idx.at[i].set(new_sel)
        return (closest, new_sel, sample_idx)

    init = (
        jnp.full((N,), jnp.inf, dtype=jnp.float32),
        jnp.int32(0),
        jnp.full((num_sample,), -1, dtype=jnp.int32),
    )
    _, _, sample_idx = jax.lax.fori_loop(0, num_sample, body, init)
    return sample_idx


def reference(point_coord, features):
    # Sampling layer: farthest point sampling indices (non-differentiable)
    indices = jax.vmap(lambda c: _fps_single(c, NUM_SAMPLE))(point_coord)
    indices = jax.lax.stop_gradient(indices)
    # GatherPoints: centroid_coord[b, i, :] = point_coord[b, indices[b, i], :]
    centroid_coord = jnp.take_along_axis(point_coord, indices[:, :, None], axis=1)
    return centroid_coord

if __name__ == "__main__":
    import jax
    _d = setup_inputs()
    print(jax.jit(kernel)(*tuple(_d.values())))

</pallas_src>

<mosaic_0001>
#map = affine_map<(d0, d1) -> (0, 0)>
module attributes {stable_mosaic.version = 14 : i64} {
  func.func @_fps_body(%arg0: i32, %arg1: i32, %arg2: memref<16x49152xf32, #tpu.memory_space<hbm>>, %arg3: memref<16x6144xf32, #tpu.memory_space<hbm>>, %arg4: memref<49168xf32, #tpu.memory_space<vmem>>, %arg5: memref<16384xf32, #tpu.memory_space<vmem>>, %arg6: memref<6160xf32, #tpu.memory_space<vmem>>) attributes {dimension_semantics = [#tpu.dimension_semantics<core_parallel>, #tpu.dimension_semantics<subcore_parallel>], iteration_bounds = array<i64: 2, 16>, scalar_prefetch = 0 : i64, scratch_operands = 3 : i64, tpu.core_type = #tpu.core_type<sc_vector_subcore>, window_params = [{transform_indices = #map}, {transform_indices = #map}]} {
    %mul3A = arith.constant 8 : i32
    %mul3A_0 = arith.muli %arg0, %mul3A : i32
    %add3A = arith.addi %mul3A_0, %arg1 : i32
    %lt3A = arith.constant 8 : i32
    %lt3A_1 = arith.cmpi slt, %arg1, %lt3A : i32
    %convert_element_type3A = arith.extui %lt3A_1 : i1 to i32
    %cond3A = arith.constant 0 : i32
    %cond3A_2 = arith.cmpi ne, %convert_element_type3A, %cond3A : i32
    scf.if %cond3A_2 {
      "tpu.region"() ({
        %run_scoped3A = tpu.sem_alloc : memref<!tpu.dma_semaphore, #tpu.memory_space<semaphore_mem>>
        %dma_start3A = arith.constant 0 : i32
        %dma_start3A_37 = tpu.memref_slice %arg4[%dma_start3A] : memref<49168xf32, #tpu.memory_space<vmem>> -> memref<49152xf32, #tpu.memory_space<vmem>>
        %dma_start3A_38 = arith.constant 0 : i32
        %dma_start3A_39 = tpu.memref_slice %arg2[%add3A, %dma_start3A_38] : memref<16x49152xf32, #tpu.memory_space<hbm>> -> memref<1x49152xf32, #tpu.memory_space<hbm>>
        %dma_start3A_40 = tpu.memref_squeeze %dma_start3A_39 : memref<1x49152xf32, #tpu.memory_space<hbm>> -> memref<49152xf32, #tpu.memory_space<hbm>>
        %dma_start3A_41 = arith.constant 0 : i32
        %dma_start3A_42 = tpu.memref_slice %arg4[%dma_start3A_41] : memref<49168xf32, #tpu.memory_space<vmem>> -> memref<49152xf32, #tpu.memory_space<vmem>>
        %dma_start3A_43 = arith.constant 0 : i32
        %dma_start3A_44 = tpu.memref_slice %arg2[%add3A, %dma_start3A_43] : memref<16x49152xf32, #tpu.memory_space<hbm>> -> memref<1x49152xf32, #tpu.memory_space<hbm>>
        %dma_start3A_45 = tpu.memref_squeeze %dma_start3A_44 : memref<1x49152xf32, #tpu.memory_space<hbm>> -> memref<49152xf32, #tpu.memory_space<hbm>>
        tpu.enqueue_dma source(%dma_start3A_45 : memref<49152xf32, #tpu.memory_space<hbm>>) target(%dma_start3A_42 : memref<49152xf32, #tpu.memory_space<vmem>>) target_semaphore(%run_scoped3A : memref<!tpu.dma_semaphore, #tpu.memory_space<semaphore_mem>>)
        %dma_wait3A = arith.constant 0 : i32
        %dma_wait3A_46 = tpu.memref_slice %arg4[%dma_wait3A] : memref<49168xf32, #tpu.memory_space<vmem>> -> memref<49152xf32, #tpu.memory_space<vmem>>
        %dma_wait3A_47 = arith.constant 0 : i32
        %dma_wait3A_48 = tpu.memref_slice %arg2[%add3A, %dma_wait3A_47] : memref<16x49152xf32, #tpu.memory_space<hbm>> -> memref<1x49152xf32, #tpu.memory_space<hbm>>
        %dma_wait3A_49 = tpu.memref_squeeze %dma_wait3A_48 : memref<1x49152xf32, #tpu.memory_space<hbm>> -> memref<49152xf32, #tpu.memory_space<hbm>>
        %dma_wait3A_50 = arith.constant 0 : i32
        %dma_wait3A_51 = tpu.memref_slice %arg4[%dma_wait3A_50] : memref<49168xf32, #tpu.memory_space<vmem>> -> memref<49152xf32, #tpu.memory_space<vmem>>
        %dma_wait3A_52 = arith.constant 0 : i32
        %dma_wait3A_53 = tpu.memref_slice %arg2[%add3A, %dma_wait3A_52] : memref<16x49152xf32, #tpu.memory_space<hbm>> -> memref<1x49152xf32, #tpu.memory_space<hbm>>
        %dma_wait3A_54 = tpu.memref_squeeze %dma_wait3A_53 : memref<1x49152xf32, #tpu.memory_space<hbm>> -> memref<49152xf32, #tpu.memory_space<hbm>>
        tpu.wait_dma2 semaphore(%run_scoped3A : memref<!tpu.dma_semaphore, #tpu.memory_space<semaphore_mem>>) src(%dma_wait3A_54 : memref<49152xf32, #tpu.memory_space<hbm>>) dst(%dma_wait3A_51 : memref<49152xf32, #tpu.memory_space<vmem>>)
        tpu.yield
      }) : () -> ()
      %broadcast_in_dim3A = arith.constant 0x7F800000 : f32
      %broadcast_in_dim3A_3 = vector.broadcast %broadcast_in_dim3A : f32 to vector<16xf32>
      %scan3A = arith.constant 0 : i32
      %scan3A_4 = arith.constant 0 : i32
      %scan3A_5 = arith.constant 1024 : i32
      %scan3A_6 = arith.addi %scan3A_4, %scan3A_5 : i32
      %scan3A_7 = arith.constant 1 : i32
      scf.for %scan3A_37 = %scan3A_4 to %scan3A_6 step %scan3A_7  : i32 {
        %mul3A_38 = arith.constant 16 : i32
        %mul3A_39 = arith.muli %scan3A_37, %mul3A_38 : i32
        %swap3A = arith.index_cast %mul3A_39 : i32 to index
        %swap3A_40 = tpu.vector_load %arg5[%swap3A] {strides = array<i32>} : memref<16384xf32, #tpu.memory_space<vmem>>, vector<16xf32>,
        tpu.vector_store %arg5[%swap3A], %broadcast_in_dim3A_3 {strides = array<i32>} : memref<16384xf32, #tpu.memory_space<vmem>>, vector<16xf32>,
      }
      %scan3A_8 = arith.constant 1024 : i32
      %iota3A = tpu.iota {dimensions = array<i32: 0>} : vector<16xi32>
      %broadcast_in_dim3A_9 = arith.constant 0 : i32
      %broadcast_in_dim3A_10 = vector.broadcast %broadcast_in_dim3A_9 : i32 to vector<16xi32>
      %broadcast_in_dim3A_11 = arith.constant 0xFF800000 : f32
      %broadcast_in_dim3A_12 = vector.broadcast %broadcast_in_dim3A_11 : f32 to vector<16xf32>
      %broadcast_in_dim3A_13 = arith.constant 2147483647 : i32
      %broadcast_in_dim3A_14 = vector.broadcast %broadcast_in_dim3A_13 : i32 to vector<16xi32>
      %get3A = arith.constant 0 : i32
      %get3A_15 = arith.index_cast %get3A : i32 to index
      %get3A_16 = tpu.vector_load %arg4[%get3A_15] {strides = array<i32>} : memref<49168xf32, #tpu.memory_space<vmem>>, vector<16xf32>,
      %slice3A = vector.extract_strided_slice %get3A_16 {offsets = [0], sizes = [1], strides = [1]} : vector<16xf32> to vector<1xf32>
      %squeeze3A = vector.extract %slice3A[0] : f32 from vector<1xf32>
      %add3A_17 = arith.constant 0 : i32
      %add3A_18 = arith.constant 16384 : i32
      %add3A_19 = arith.addi %add3A_17, %add3A_18 : i32
      %get3A_20 = arith.index_cast %add3A_19 : i32 to index
      %get3A_21 = tpu.vector_load %arg4[%get3A_20] {strides = array<i32>} : memref<49168xf32, #tpu.memory_space<vmem>>, vector<16xf32>,
      %slice3A_22 = vector.extract_strided_slice %get3A_21 {offsets = [0], sizes = [1], strides = [1]} : vector<16xf32> to vector<1xf32>
      %squeeze3A_23 = vector.extract %slice3A_22[0] : f32 from vector<1xf32>
      %add3A_24 = arith.constant 0 : i32
      %add3A_25 = arith.constant 32768 : i32
      %add3A_26 = arith.addi %add3A_24, %add3A_25 : i32
      %get3A_27 = arith.index_cast %add3A_26 : i32 to index
      %get3A_28 = tpu.vector_load %arg4[%get3A_27] {strides = array<i32>} : memref<49168xf32, #tpu.memory_space<vmem>>, vector<16xf32>,
      %slice3A_29 = vector.extract_strided_slice %get3A_28 {offsets = [0], sizes = [1], strides = [1]} : vector<16xf32> to vector<1xf32>
      %squeeze3A_30 = vector.extract %slice3A_29[0] : f32 from vector<1xf32>
      %scan3A_31 = arith.constant 0 : i32
      %scan3A_32 = arith.constant 2048 : i32
      %scan3A_33 = arith.addi %scan3A_31, %scan3A_32 : i32
      %scan3A_34 = arith.constant 1 : i32
      %scan3A_35:3 = scf.for %scan3A_37 = %scan3A_31 to %scan3A_33 step %scan3A_34 iter_args(%scan3A_38 = %squeeze3A, %scan3A_39 = %squeeze3A_23, %scan3A_40 = %squeeze3A_30) -> (f32, f32, f32)  : i32 {
        %broadcast_in_dim3A_41 = vector.broadcast %scan3A_38 : f32 to vector<16xf32>
        %broadcast_in_dim3A_42 = vector.broadcast %scan3A_39 : f32 to vector<16xf32>
        %broadcast_in_dim3A_43 = vector.broadcast %scan3A_40 : f32 to vector<16xf32>
        %parallel_loop3A = arith.constant 0 : i32
        %parallel_loop3A_44 = arith.constant 1024 : i32
        %parallel_loop3A_45 = arith.constant 4 : i32
        %parallel_loop3A_46:9 = scf.for %parallel_loop3A_105 = %parallel_loop3A to %parallel_loop3A_44 step %parallel_loop3A_45 iter_args(%parallel_loop3A_106 = %broadcast_in_dim3A_12, %parallel_loop3A_107 = %broadcast_in_dim3A_10, %parallel_loop3A_108 = %broadcast_in_dim3A_12, %parallel_loop3A_109 = %broadcast_in_dim3A_10, %parallel_loop3A_110 = %broadcast_in_dim3A_12, %parallel_loop3A_111 = %broadcast_in_dim3A_10, %parallel_loop3A_112 = %broadcast_in_dim3A_12, %parallel_loop3A_113 = %broadcast_in_dim3A_10, %parallel_loop3A_114 = %iota3A) -> (vector<16xf32>, vector<16xi32>, vector<16xf32>, vector<16xi32>, vector<16xf32>, vector<16xi32>, vector<16xf32>, vector<16xi32>, vector<16xi32>)  : i32 {
          %parallel_loop3A_115 = arith.constant 0 : i32
          %parallel_loop3A_116 = arith.addi %parallel_loop3A_105, %parallel_loop3A_115 : i32
          %parallel_loop3A_117 = arith.constant 16 : i32
          %parallel_loop3A_118 = arith.muli %parallel_loop3A_116, %parallel_loop3A_117 : i32
          %parallel_loop3A_119 = arith.index_cast %parallel_loop3A_118 : i32 to index
          %parallel_loop3A_120 = tpu.vector_load %arg4[%parallel_loop3A_119] {strides = array<i32>} : memref<49168xf32, #tpu.memory_space<vmem>>, vector<16xf32>,
          %parallel_loop3A_121 = arith.constant 16384 : i32
          %parallel_loop3A_122 = arith.addi %parallel_loop3A_121, %parallel_loop3A_118 : i32
          %parallel_loop3A_123 = arith.index_cast %parallel_loop3A_122 : i32 to index
          %parallel_loop3A_124 = tpu.vector_load %arg4[%parallel_loop3A_123] {strides = array<i32>} : memref<49168xf32, #tpu.memory_space<vmem>>, vector<16xf32>,
          %parallel_loop3A_125 = arith.constant 32768 : i32
          %parallel_loop3A_126 = arith.addi %parallel_loop3A_125, %parallel_loop3A_118 : i32
          %parallel_loop3A_127 = arith.index_cast %parallel_loop3A_126 : i32 to index
          %parallel_loop3A_128 = tpu.vector_load %arg4[%parallel_loop3A_127] {strides = array<i32>} : memref<49168xf32, #tpu.memory_space<vmem>>, vector<16xf32>,
          %parallel_loop3A_129 = arith.subf %parallel_loop3A_120, %broadcast_in_dim3A_41 : vector<16xf32>
          %parallel_loop3A_130 = arith.subf %parallel_loop3A_124, %broadcast_in_dim3A_42 : vector<16xf32>
          %parallel_loop3A_131 = arith.subf %parallel_loop3A_128, %broadcast_in_dim3A_43 : vector<16xf32>
          %parallel_loop3A_132 = arith.mulf %parallel_loop3A_129, %parallel_loop3A_129 : vector<16xf32>
          %parallel_loop3A_133 = arith.mulf %parallel_loop3A_130, %parallel_loop3A_130 : vector<16xf32>
          %parallel_loop3A_134 = arith.mulf %parallel_loop3A_131, %parallel_loop3A_131 : vector<16xf32>
          %parallel_loop3A_135 = arith.maximumf %parallel_loop3A_132, %parallel_loop3A_133 : vector<16xf32>
          %parallel_loop3A_136 = arith.minimumf %parallel_loop3A_132, %parallel_loop3A_133 : vector<16xf32>
          %parallel_loop3A_137 = arith.addf %parallel_loop3A_135, %parallel_loop3A_136 : vector<16xf32>
          %parallel_loop3A_138 = arith.subf %parallel_loop3A_137, %parallel_loop3A_135 : vector<16xf32>
          %parallel_loop3A_139 = arith.subf %parallel_loop3A_136, %parallel_loop3A_138 : vector<16xf32>
          %parallel_loop3A_140 = arith.maximumf %parallel_loop3A_137, %parallel_loop3A_134 : vector<16xf32>
          %parallel_loop3A_141 = arith.minimumf %parallel_loop3A_137, %parallel_loop3A_134 : vector<16xf32>
          %parallel_loop3A_142 = arith.addf %parallel_loop3A_140, %parallel_loop3A_141 : vector<16xf32>
          %parallel_loop3A_143 = arith.subf %parallel_loop3A_142, %parallel_loop3A_140 : vector<16xf32>
          %parallel_loop3A_144 = arith.subf %parallel_loop3A_141, %parallel_loop3A_143 : vector<16xf32>
          %parallel_loop3A_145 = arith.addf %parallel_loop3A_139, %parallel_loop3A_144 : vector<16xf32>
          %parallel_loop3A_146 = arith.addf %parallel_loop3A_142, %parallel_loop3A_145 : vector<16xf32>
          %parallel_loop3A_147 = arith.index_cast %parallel_loop3A_118 : i32 to index
          %parallel_loop3A_148 = tpu.vector_load %arg5[%parallel_loop3A_147] {strides = array<i32>} : memref<16384xf32, #tpu.memory_space<vmem>>, vector<16xf32>,
          %parallel_loop3A_149 = arith.minimumf %parallel_loop3A_146, %parallel_loop3A_148 : vector<16xf32>
          %parallel_loop3A_150 = arith.index_cast %parallel_loop3A_118 : i32 to index
          %parallel_loop3A_151 = tpu.vector_load %arg5[%parallel_loop3A_150] {strides = array<i32>} : memref<16384xf32, #tpu.memory_space<vmem>>, vector<16xf32>,
          tpu.vector_store %arg5[%parallel_loop3A_150], %parallel_loop3A_149 {strides = array<i32>} : memref<16384xf32, #tpu.memory_space<vmem>>, vector<16xf32>,
          %parallel_loop3A_152 = arith.cmpf ogt, %parallel_loop3A_149, %parallel_loop3A_106 : vector<16xf32>
          %parallel_loop3A_153 = arith.maximumf %parallel_loop3A_149, %parallel_loop3A_106 : vector<16xf32>
          %parallel_loop3A_154 = arith.constant 0 : i32
          %parallel_loop3A_155 = vector.broadcast %parallel_loop3A_154 : i32 to vector<16xi32>
          %parallel_loop3A_156 = arith.addi %parallel_loop3A_114, %parallel_loop3A_155 : vector<16xi32>
          %parallel_loop3A_157 = arith.select %parallel_loop3A_152, %parallel_loop3A_156, %parallel_loop3A_107 : vector<16xi1>, vector<16xi32>
          %parallel_loop3A_158 = arith.constant 1 : i32
          %parallel_loop3A_159 = arith.addi %parallel_loop3A_105, %parallel_loop3A_158 : i32
          %parallel_loop3A_160 = arith.constant 16 : i32
          %parallel_loop3A_161 = arith.muli %parallel_loop3A_159, %parallel_loop3A_160 : i32
          %parallel_loop3A_162 = arith.index_cast %parallel_loop3A_161 : i32 to index
          %parallel_loop3A_163 = tpu.vector_load %arg4[%parallel_loop3A_162] {strides = array<i32>} : memref<49168xf32, #tpu.memory_space<vmem>>, vector<16xf32>,
          %parallel_loop3A_164 = arith.constant 16384 : i32
          %parallel_loop3A_165 = arith.addi %parallel_loop3A_164, %parallel_loop3A_161 : i32
          %parallel_loop3A_166 = arith.index_cast %parallel_loop3A_165 : i32 to index
          %parallel_loop3A_167 = tpu.vector_load %arg4[%parallel_loop3A_166] {strides = array<i32>} : memref<49168xf32, #tpu.memory_space<vmem>>, vector<16xf32>,
          %parallel_loop3A_168 = arith.constant 32768 : i32
          %parallel_loop3A_169 = arith.addi %parallel_loop3A_168, %parallel_loop3A_161 : i32
          %parallel_loop3A_170 = arith.index_cast %parallel_loop3A_169 : i32 to index
          %parallel_loop3A_171 = tpu.vector_load %arg4[%parallel_loop3A_170] {strides = array<i32>} : memref<49168xf32, #tpu.memory_space<vmem>>, vector<16xf32>,
          %parallel_loop3A_172 = arith.subf %parallel_loop3A_163, %broadcast_in_dim3A_41 : vector<16xf32>
          %parallel_loop3A_173 = arith.subf %parallel_loop3A_167, %broadcast_in_dim3A_42 : vector<16xf32>
          %parallel_loop3A_174 = arith.subf %parallel_loop3A_171, %broadcast_in_dim3A_43 : vector<16xf32>
          %parallel_loop3A_175 = arith.mulf %parallel_loop3A_172, %parallel_loop3A_172 : vector<16xf32>
          %parallel_loop3A_176 = arith.mulf %parallel_loop3A_173, %parallel_loop3A_173 : vector<16xf32>
          %parallel_loop3A_177 = arith.mulf %parallel_loop3A_174, %parallel_loop3A_174 : vector<16xf32>
          %parallel_loop3A_178 = arith.maximumf %parallel_loop3A_175, %parallel_loop3A_176 : vector<16xf32>
          %parallel_loop3A_179 = arith.minimumf %parallel_loop3A_175, %parallel_loop3A_176 : vector<16xf32>
          %parallel_loop3A_180 = arith.addf %parallel_loop3A_178, %parallel_loop3A_179 : vector<16xf32>
          %parallel_loop3A_181 = arith.subf %parallel_loop3A_180, %parallel_loop3A_178 : vector<16xf32>
          %parallel_loop3A_182 = arith.subf %parallel_loop3A_179, %parallel_loop3A_181 : vector<16xf32>
          %parallel_loop3A_183 = arith.maximumf %parallel_loop3A_180, %parallel_loop3A_177 : vector<16xf32>
          %parallel_loop3A_184 = arith.minimumf %parallel_loop3A_180, %parallel_loop3A_177 : vector<16xf32>
          %parallel_loop3A_185 = arith.addf %parallel_loop3A_183, %parallel_loop3A_184 : vector<16xf32>
          %parallel_loop3A_186 = arith.subf %parallel_loop3A_185, %parallel_loop3A_183 : vector<16xf32>
          %parallel_loop3A_187 = arith.subf %parallel_loop3A_184, %parallel_loop3A_186 : vector<16xf32>
          %parallel_loop3A_188 = arith.addf %parallel_loop3A_182, %parallel_loop3A_187 : vector<16xf32>
          %parallel_loop3A_189 = arith.addf %parallel_loop3A_185, %parallel_loop3A_188 : vector<16xf32>
          %parallel_loop3A_190 = arith.index_cast %parallel_loop3A_161 : i32 to index
          %parallel_loop3A_191 = tpu.vector_load %arg5[%parallel_loop3A_190] {strides = array<i32>} : memref<16384xf32, #tpu.memory_space<vmem>>, vector<16xf32>,
          %parallel_loop3A_192 = arith.minimumf %parallel_loop3A_189, %parallel_loop3A_191 : vector<16xf32>
          %parallel_loop3A_193 = arith.index_cast %parallel_loop3A_161 : i32 to index
          %parallel_loop3A_194 = tpu.vector_load %arg5[%parallel_loop3A_193] {strides = array<i32>} : memref<16384xf32, #tpu.memory_space<vmem>>, vector<16xf32>,
          tpu.vector_store %arg5[%parallel_loop3A_193], %parallel_loop3A_192 {strides = array<i32>} : memref<16384xf32, #tpu.memory_space<vmem>>, vector<16xf32>,
          %parallel_loop3A_195 = arith.cmpf ogt, %parallel_loop3A_192, %parallel_loop3A_108 : vector<16xf32>
          %parallel_loop3A_196 = arith.maximumf %parallel_loop3A_192, %parallel_loop3A_108 : vector<16xf32>
          %parallel_loop3A_197 = arith.constant 16 : i32
          %parallel_loop3A_198 = vector.broadcast %parallel_loop3A_197 : i32 to vector<16xi32>
          %parallel_loop3A_199 = arith.addi %parallel_loop3A_114, %parallel_loop3A_198 : vector<16xi32>
          %parallel_loop3A_200 = arith.select %parallel_loop3A_195, %parallel_loop3A_199, %parallel_loop3A_109 : vector<16xi1>, vector<16xi32>
          %parallel_loop3A_201 = arith.constant 2 : i32
          %parallel_loop3A_202 = arith.addi %parallel_loop3A_105, %parallel_loop3A_201 : i32
          %parallel_loop3A_203 = arith.constant 16 : i32
          %parallel_loop3A_204 = arith.muli %parallel_loop3A_202, %parallel_loop3A_203 : i32
          %parallel_loop3A_205 = arith.index_cast %parallel_loop3A_204 : i32 to index
          %parallel_loop3A_206 = tpu.vector_load %arg4[%parallel_loop3A_205] {strides = array<i32>} : memref<49168xf32, #tpu.memory_space<vmem>>, vector<16xf32>,
          %parallel_loop3A_207 = arith.constant 16384 : i32
          %parallel_loop3A_208 = arith.addi %parallel_loop3A_207, %parallel_loop3A_204 : i32
          %parallel_loop3A_209 = arith.index_cast %parallel_loop3A_208 : i32 to index
          %parallel_loop3A_210 = tpu.vector_load %arg4[%parallel_loop3A_209] {strides = array<i32>} : memref<49168xf32, #tpu.memory_space<vmem>>, vector<16xf32>,
          %parallel_loop3A_211 = arith.constant 32768 : i32
          %parallel_loop3A_212 = arith.addi %parallel_loop3A_211, %parallel_loop3A_204 : i32
          %parallel_loop3A_213 = arith.index_cast %parallel_loop3A_212 : i32 to index
          %parallel_loop3A_214 = tpu.vector_load %arg4[%parallel_loop3A_213] {strides = array<i32>} : memref<49168xf32, #tpu.memory_space<vmem>>, vector<16xf32>,
          %parallel_loop3A_215 = arith.subf %parallel_loop3A_206, %broadcast_in_dim3A_41 : vector<16xf32>
          %parallel_loop3A_216 = arith.subf %parallel_loop3A_210, %broadcast_in_dim3A_42 : vector<16xf32>
          %parallel_loop3A_217 = arith.subf %parallel_loop3A_214, %broadcast_in_dim3A_43 : vector<16xf32>
          %parallel_loop3A_218 = arith.mulf %parallel_loop3A_215, %parallel_loop3A_215 : vector<16xf32>
          %parallel_loop3A_219 = arith.mulf %parallel_loop3A_216, %parallel_loop3A_216 : vector<16xf32>
          %parallel_loop3A_220 = arith.mulf %parallel_loop3A_217, %parallel_loop3A_217 : vector<16xf32>
          %parallel_loop3A_221 = arith.maximumf %parallel_loop3A_218, %parallel_loop3A_219 : vector<16xf32>
          %parallel_loop3A_222 = arith.minimumf %parallel_loop3A_218, %parallel_loop3A_219 : vector<16xf32>
          %parallel_loop3A_223 = arith.addf %parallel_loop3A_221, %parallel_loop3A_222 : vector<16xf32>
          %parallel_loop3A_224 = arith.subf %parallel_loop3A_223, %parallel_loop3A_221 : vector<16xf32>
          %parallel_loop3A_225 = arith.subf %parallel_loop3A_222, %parallel_loop3A_224 : vector<16xf32>
          %parallel_loop3A_226 = arith.maximumf %parallel_loop3A_223, %parallel_loop3A_220 : vector<16xf32>
          %parallel_loop3A_227 = arith.minimumf %parallel_loop3A_223, %parallel_loop3A_220 : vector<16xf32>
          %parallel_loop3A_228 = arith.addf %parallel_loop3A_226, %parallel_loop3A_227 : vector<16xf32>
          %parallel_loop3A_229 = arith.subf %parallel_loop3A_228, %parallel_loop3A_226 : vector<16xf32>
          %parallel_loop3A_230 = arith.subf %parallel_loop3A_227, %parallel_loop3A_229 : vector<16xf32>
          %parallel_loop3A_231 = arith.addf %parallel_loop3A_225, %parallel_loop3A_230 : vector<16xf32>
          %parallel_loop3A_232 = arith.addf %parallel_loop3A_228, %parallel_loop3A_231 : vector<16xf32>
          %parallel_loop3A_233 = arith.index_cast %parallel_loop3A_204 : i32 to index
          %parallel_loop3A_234 = tpu.vector_load %arg5[%parallel_loop3A_233] {strides = array<i32>} : memref<16384xf32, #tpu.memory_space<vmem>>, vector<16xf32>,
          %parallel_loop3A_235 = arith.minimumf %parallel_loop3A_232, %parallel_loop3A_234 : vector<16xf32>
          %parallel_loop3A_236 = arith.index_cast %parallel_loop3A_204 : i32 to index
          %parallel_loop3A_237 = tpu.vector_load %arg5[%parallel_loop3A_236] {strides = array<i32>} : memref<16384xf32, #tpu.memory_space<vmem>>, vector<16xf32>,
          tpu.vector_store %arg5[%parallel_loop3A_236], %parallel_loop3A_235 {strides = array<i32>} : memref<16384xf32, #tpu.memory_space<vmem>>, vector<16xf32>,
          %parallel_loop3A_238 = arith.cmpf ogt, %parallel_loop3A_235, %parallel_loop3A_110 : vector<16xf32>
          %parallel_loop3A_239 = arith.maximumf %parallel_loop3A_235, %parallel_loop3A_110 : vector<16xf32>
          %parallel_loop3A_240 = arith.constant 32 : i32
          %parallel_loop3A_241 = vector.broadcast %parallel_loop3A_240 : i32 to vector<16xi32>
          %parallel_loop3A_242 = arith.addi %parallel_loop3A_114, %parallel_loop3A_241 : vector<16xi32>
          %parallel_loop3A_243 = arith.select %parallel_loop3A_238, %parallel_loop3A_242, %parallel_loop3A_111 : vector<16xi1>, vector<16xi32>
          %parallel_loop3A_244 = arith.constant 3 : i32
          %parallel_loop3A_245 = arith.addi %parallel_loop3A_105, %parallel_loop3A_244 : i32
          %parallel_loop3A_246 = arith.constant 16 : i32
          %parallel_loop3A_247 = arith.muli %parallel_loop3A_245, %parallel_loop3A_246 : i32
          %parallel_loop3A_248 = arith.index_cast %parallel_loop3A_247 : i32 to index
          %parallel_loop3A_249 = tpu.vector_load %arg4[%parallel_loop3A_248] {strides = array<i32>} : memref<49168xf32, #tpu.memory_space<vmem>>, vector<16xf32>,
          %parallel_loop3A_250 = arith.constant 16384 : i32
          %parallel_loop3A_251 = arith.addi %parallel_loop3A_250, %parallel_loop3A_247 : i32
          %parallel_loop3A_252 = arith.index_cast %parallel_loop3A_251 : i32 to index
          %parallel_loop3A_253 = tpu.vector_load %arg4[%parallel_loop3A_252] {strides = array<i32>} : memref<49168xf32, #tpu.memory_space<vmem>>, vector<16xf32>,
          %parallel_loop3A_254 = arith.constant 32768 : i32
          %parallel_loop3A_255 = arith.addi %parallel_loop3A_254, %parallel_loop3A_247 : i32
          %parallel_loop3A_256 = arith.index_cast %parallel_loop3A_255 : i32 to index
          %parallel_loop3A_257 = tpu.vector_load %arg4[%parallel_loop3A_256] {strides = array<i32>} : memref<49168xf32, #tpu.memory_space<vmem>>, vector<16xf32>,
          %parallel_loop3A_258 = arith.subf %parallel_loop3A_249, %broadcast_in_dim3A_41 : vector<16xf32>
          %parallel_loop3A_259 = arith.subf %parallel_loop3A_253, %broadcast_in_dim3A_42 : vector<16xf32>
          %parallel_loop3A_260 = arith.subf %parallel_loop3A_257, %broadcast_in_dim3A_43 : vector<16xf32>
          %parallel_loop3A_261 = arith.mulf %parallel_loop3A_258, %parallel_loop3A_258 : vector<16xf32>
          %parallel_loop3A_262 = arith.mulf %parallel_loop3A_259, %parallel_loop3A_259 : vector<16xf32>
          %parallel_loop3A_263 = arith.mulf %parallel_loop3A_260, %parallel_loop3A_260 : vector<16xf32>
          %parallel_loop3A_264 = arith.maximumf %parallel_loop3A_261, %parallel_loop3A_262 : vector<16xf32>
          %parallel_loop3A_265 = arith.minimumf %parallel_loop3A_261, %parallel_loop3A_262 : vector<16xf32>
          %parallel_loop3A_266 = arith.addf %parallel_loop3A_264, %parallel_loop3A_265 : vector<16xf32>
          %parallel_loop3A_267 = arith.subf %parallel_loop3A_266, %parallel_loop3A_264 : vector<16xf32>
          %parallel_loop3A_268 = arith.subf %parallel_loop3A_265, %parallel_loop3A_267 : vector<16xf32>
          %parallel_loop3A_269 = arith.maximumf %parallel_loop3A_266, %parallel_loop3A_263 : vector<16xf32>
          %parallel_loop3A_270 = arith.minimumf %parallel_loop3A_266, %parallel_loop3A_263 : vector<16xf32>
          %parallel_loop3A_271 = arith.addf %parallel_loop3A_269, %parallel_loop3A_270 : vector<16xf32>
          %parallel_loop3A_272 = arith.subf %parallel_loop3A_271, %parallel_loop3A_269 : vector<16xf32>
          %parallel_loop3A_273 = arith.subf %parallel_loop3A_270, %parallel_loop3A_272 : vector<16xf32>
          %parallel_loop3A_274 = arith.addf %parallel_loop3A_268, %parallel_loop3A_273 : vector<16xf32>
          %parallel_loop3A_275 = arith.addf %parallel_loop3A_271, %parallel_loop3A_274 : vector<16xf32>
          %parallel_loop3A_276 = arith.index_cast %parallel_loop3A_247 : i32 to index
          %parallel_loop3A_277 = tpu.vector_load %arg5[%parallel_loop3A_276] {strides = array<i32>} : memref<16384xf32, #tpu.memory_space<vmem>>, vector<16xf32>,
          %parallel_loop3A_278 = arith.minimumf %parallel_loop3A_275, %parallel_loop3A_277 : vector<16xf32>
          %parallel_loop3A_279 = arith.index_cast %parallel_loop3A_247 : i32 to index
          %parallel_loop3A_280 = tpu.vector_load %arg5[%parallel_loop3A_279] {strides = array<i32>} : memref<16384xf32, #tpu.memory_space<vmem>>, vector<16xf32>,
          tpu.vector_store %arg5[%parallel_loop3A_279], %parallel_loop3A_278 {strides = array<i32>} : memref<16384xf32, #tpu.memory_space<vmem>>, vector<16xf32>,
          %parallel_loop3A_281 = arith.cmpf ogt, %parallel_loop3A_278, %parallel_loop3A_112 : vector<16xf32>
          %parallel_loop3A_282 = arith.maximumf %parallel_loop3A_278, %parallel_loop3A_112 : vector<16xf32>
          %parallel_loop3A_283 = arith.constant 48 : i32
          %parallel_loop3A_284 = vector.broadcast %parallel_loop3A_283 : i32 to vector<16xi32>
          %parallel_loop3A_285 = arith.addi %parallel_loop3A_114, %parallel_loop3A_284 : vector<16xi32>
          %parallel_loop3A_286 = arith.select %parallel_loop3A_281, %parallel_loop3A_285, %parallel_loop3A_113 : vector<16xi1>, vector<16xi32>
          %parallel_loop3A_287 = arith.constant 64 : i32
          %parallel_loop3A_288 = vector.broadcast %parallel_loop3A_287 : i32 to vector<16xi32>
          %parallel_loop3A_289 = arith.addi %parallel_loop3A_114, %parallel_loop3A_288 : vector<16xi32>
          scf.yield %parallel_loop3A_153, %parallel_loop3A_157, %parallel_loop3A_196, %parallel_loop3A_200, %parallel_loop3A_239, %parallel_loop3A_243, %parallel_loop3A_282, %parallel_loop3A_286, %parallel_loop3A_289 : vector<16xf32>, vector<16xi32>, vector<16xf32>, vector<16xi32>, vector<16xf32>, vector<16xi32>, vector<16xf32>, vector<16xi32>, vector<16xi32>
        } {sc.loop_unroll_factor = 1 : i64, sc.parallel_access}
        %max3A = arith.maximumf %parallel_loop3A_46#0, %parallel_loop3A_46#2 : vector<16xf32>
        %max3A_47 = arith.maximumf %max3A, %parallel_loop3A_46#4 : vector<16xf32>
        %max3A_48 = arith.maximumf %max3A_47, %parallel_loop3A_46#6 : vector<16xf32>
        %reduce_max3A = arith.constant true
        %reduce_max3A_49 = vector.broadcast %reduce_max3A : i1 to vector<16xi1>
        %reduce_max3A_50 = tpu.scan <max>, %max3A_48 masked %reduce_max3A_49 : vector<16xf32>, vector<16xi1> -> vector<16xf32>
        %reduce_max3A_51 = vector.extract %reduce_max3A_50[15] : f32 from vector<16xf32>
        %eq3A = vector.broadcast %reduce_max3A_51 : f32 to vector<16xf32>
        %eq3A_52 = arith.cmpf oeq, %parallel_loop3A_46#0, %eq3A : vector<16xf32>
        %select_n3A = arith.select %eq3A_52, %parallel_loop3A_46#1, %broadcast_in_dim3A_14 : vector<16xi1>, vector<16xi32>
        %min3A = arith.minsi %broadcast_in_dim3A_14, %select_n3A : vector<16xi32>
        %eq3A_53 = vector.broadcast %reduce_max3A_51 : f32 to vector<16xf32>
        %eq3A_54 = arith.cmpf oeq, %parallel_loop3A_46#2, %eq3A_53 : vector<16xf32>
        %select_n3A_55 = arith.select %eq3A_54, %parallel_loop3A_46#3, %broadcast_in_dim3A_14 : vector<16xi1>, vector<16xi32>
        %min3A_56 = arith.minsi %min3A, %select_n3A_55 : vector<16xi32>
        %eq3A_57 = vector.broadcast %reduce_max3A_51 : f32 to vector<16xf32>
        %eq3A_58 = arith.cmpf oeq, %parallel_loop3A_46#4, %eq3A_57 : vector<16xf32>
        %select_n3A_59 = arith.select %eq3A_58, %parallel_loop3A_46#5, %broadcast_in_dim3A_14 : vector<16xi1>, vector<16xi32>
        %min3A_60 = arith.minsi %min3A_56, %select_n3A_59 : vector<16xi32>
        %eq3A_61 = vector.broadcast %reduce_max3A_51 : f32 to vector<16xf32>
        %eq3A_62 = arith.cmpf oeq, %parallel_loop3A_46#6, %eq3A_61 : vector<16xf32>
        %select_n3A_63 = arith.select %eq3A_62, %parallel_loop3A_46#7, %broadcast_in_dim3A_14 : vector<16xi1>, vector<16xi32>
        %min3A_64 = arith.minsi %min3A_60, %select_n3A_63 : vector<16xi32>
        %reduce_min3A = arith.constant true
        %reduce_min3A_65 = vector.broadcast %reduce_min3A : i1 to vector<16xi1>
        %reduce_min3A_66 = arith.constant -2147483648 : i32
        %reduce_min3A_67 = vector.broadcast %reduce_min3A_66 : i32 to vector<16xi32>
        %reduce_min3A_68 = arith.xori %min3A_64, %reduce_min3A_67 : vector<16xi32>
        %reduce_min3A_69 = tpu.scan <min>, %reduce_min3A_68 masked %reduce_min3A_65 : vector<16xi32>, vector<16xi1> -> vector<16xi32>
        %reduce_min3A_70 = arith.xori %reduce_min3A_69, %reduce_min3A_67 : vector<16xi32>
        %reduce_min3A_71 = vector.extract %reduce_min3A_70[15] : i32 from vector<16xi32>
        %get3A_72 = arith.index_cast %reduce_min3A_71 : i32 to index
        %get3A_73 = tpu.vector_load %arg4[%get3A_72] {strides = array<i32>} : memref<49168xf32, #tpu.memory_space<vmem>>, vector<16xf32>,
        %slice3A_74 = vector.extract_strided_slice %get3A_73 {offsets = [0], sizes = [1], strides = [1]} : vector<16xf32> to vector<1xf32>
        %squeeze3A_75 = vector.extract %slice3A_74[0] : f32 from vector<1xf32>
        %add3A_76 = arith.constant 16384 : i32
        %add3A_77 = arith.addi %reduce_min3A_71, %add3A_76 : i32
        %get3A_78 = arith.index_cast %add3A_77 : i32 to index
        %get3A_79 = tpu.vector_load %arg4[%get3A_78] {strides = array<i32>} : memref<49168xf32, #tpu.memory_space<vmem>>, vector<16xf32>,
        %slice3A_80 = vector.extract_strided_slice %get3A_79 {offsets = [0], sizes = [1], strides = [1]} : vector<16xf32> to vector<1xf32>
        %squeeze3A_81 = vector.extract %slice3A_80[0] : f32 from vector<1xf32>
        %add3A_82 = arith.constant 32768 : i32
        %add3A_83 = arith.addi %reduce_min3A_71, %add3A_82 : i32
        %get3A_84 = arith.index_cast %add3A_83 : i32 to index
        %get3A_85 = tpu.vector_load %arg4[%get3A_84] {strides = array<i32>} : memref<49168xf32, #tpu.memory_space<vmem>>, vector<16xf32>,
        %slice3A_86 = vector.extract_strided_slice %get3A_85 {offsets = [0], sizes = [1], strides = [1]} : vector<16xf32> to vector<1xf32>
        %squeeze3A_87 = vector.extract %slice3A_86[0] : f32 from vector<1xf32>
        %broadcast_in_dim3A_88 = vector.broadcast %squeeze3A_75 : f32 to vector<16xf32>
        %broadcast_in_dim3A_89 = vector.broadcast %squeeze3A_81 : f32 to vector<16xf32>
        %broadcast_in_dim3A_90 = vector.broadcast %squeeze3A_87 : f32 to vector<16xf32>
        %eq3A_91 = arith.constant 0 : i32
        %eq3A_92 = vector.broadcast %eq3A_91 : i32 to vector<16xi32>
        %eq3A_93 = arith.cmpi eq, %iota3A, %eq3A_92 : vector<16xi32>
        %eq3A_94 = arith.constant 1 : i32
        %eq3A_95 = vector.broadcast %eq3A_94 : i32 to vector<16xi32>
        %eq3A_96 = arith.cmpi eq, %iota3A, %eq3A_95 : vector<16xi32>
        %select_n3A_97 = arith.select %eq3A_96, %broadcast_in_dim3A_89, %broadcast_in_dim3A_90 : vector<16xi1>, vector<16xf32>
        %select_n3A_98 = arith.select %eq3A_93, %broadcast_in_dim3A_88, %select_n3A_97 : vector<16xi1>, vector<16xf32>
        %mul3A_99 = arith.constant 3 : i32
        %mul3A_100 = arith.muli %mul3A_99, %scan3A_37 : i32
        %lt3A_101 = arith.constant 3 : i32
        %lt3A_102 = vector.broadcast %lt3A_101 : i32 to vector<16xi32>
        %lt3A_103 = arith.cmpi slt, %iota3A, %lt3A_102 : vector<16xi32>
        %swap3A = arith.index_cast %mul3A_100 : i32 to index
        %swap3A_104 = tpu.vector_load %arg6[%swap3A] masked %lt3A_103 {strides = array<i32>} : memref<6160xf32, #tpu.memory_space<vmem>>, vector<16xf32>, vector<16xi1>
        tpu.vector_store %arg6[%swap3A], %select_n3A_98 masked %lt3A_103 {strides = array<i32>} : memref<6160xf32, #tpu.memory_space<vmem>>, vector<16xf32>, vector<16xi1>
        scf.yield %squeeze3A_75, %squeeze3A_81, %squeeze3A_87 : f32, f32, f32
      }
      %scan3A_36 = arith.constant 2048 : i32
      "tpu.region"() ({
        %run_scoped3A = tpu.sem_alloc : memref<!tpu.dma_semaphore, #tpu.memory_space<semaphore_mem>>
        %dma_start3A = arith.constant 0 : i32
        %dma_start3A_37 = tpu.memref_slice %arg6[%dma_start3A] : memref<6160xf32, #tpu.memory_space<vmem>> -> memref<6144xf32, #tpu.memory_space<vmem>>
        %dma_start3A_38 = arith.constant 0 : i32
        %dma_start3A_39 = tpu.memref_slice %arg3[%add3A, %dma_start3A_38] : memref<16x6144xf32, #tpu.memory_space<hbm>> -> memref<1x6144xf32, #tpu.memory_space<hbm>>
        %dma_start3A_40 = tpu.memref_squeeze %dma_start3A_39 : memref<1x6144xf32, #tpu.memory_space<hbm>> -> memref<6144xf32, #tpu.memory_space<hbm>>
        %dma_start3A_41 = arith.constant 0 : i32
        %dma_start3A_42 = tpu.memref_slice %arg3[%add3A, %dma_start3A_41] : memref<16x6144xf32, #tpu.memory_space<hbm>> -> memref<1x6144xf32, #tpu.memory_space<hbm>>
        %dma_start3A_43 = tpu.memref_squeeze %dma_start3A_42 : memref<1x6144xf32, #tpu.memory_space<hbm>> -> memref<6144xf32, #tpu.memory_space<hbm>>
        %dma_start3A_44 = arith.constant 0 : i32
        %dma_start3A_45 = tpu.memref_slice %arg6[%dma_start3A_44] : memref<6160xf32, #tpu.memory_space<vmem>> -> memref<6144xf32, #tpu.memory_space<vmem>>
        tpu.enqueue_dma source(%dma_start3A_45 : memref<6144xf32, #tpu.memory_space<vmem>>) target(%dma_start3A_43 : memref<6144xf32, #tpu.memory_space<hbm>>) target_semaphore(%run_scoped3A : memref<!tpu.dma_semaphore, #tpu.memory_space<semaphore_mem>>)
        %dma_wait3A = arith.constant 0 : i32
        %dma_wait3A_46 = tpu.memref_slice %arg6[%dma_wait3A] : memref<6160xf32, #tpu.memory_space<vmem>> -> memref<6144xf32, #tpu.memory_space<vmem>>
        %dma_wait3A_47 = arith.constant 0 : i32
        %dma_wait3A_48 = tpu.memref_slice %arg3[%add3A, %dma_wait3A_47] : memref<16x6144xf32, #tpu.memory_space<hbm>> -> memref<1x6144xf32, #tpu.memory_space<hbm>>
        %dma_wait3A_49 = tpu.memref_squeeze %dma_wait3A_48 : memref<1x6144xf32, #tpu.memory_space<hbm>> -> memref<6144xf32, #tpu.memory_space<hbm>>
        %dma_wait3A_50 = arith.constant 0 : i32
        %dma_wait3A_51 = tpu.memref_slice %arg3[%add3A, %dma_wait3A_50] : memref<16x6144xf32, #tpu.memory_space<hbm>> -> memref<1x6144xf32, #tpu.memory_space<hbm>>
        %dma_wait3A_52 = tpu.memref_squeeze %dma_wait3A_51 : memref<1x6144xf32, #tpu.memory_space<hbm>> -> memref<6144xf32, #tpu.memory_space<hbm>>
        %dma_wait3A_53 = arith.constant 0 : i32
        %dma_wait3A_54 = tpu.memref_slice %arg6[%dma_wait3A_53] : memref<6160xf32, #tpu.memory_space<vmem>> -> memref<6144xf32, #tpu.memory_space<vmem>>
        tpu.wait_dma2 semaphore(%run_scoped3A : memref<!tpu.dma_semaphore, #tpu.memory_space<semaphore_mem>>) src(%dma_wait3A_54 : memref<6144xf32, #tpu.memory_space<vmem>>) dst(%dma_wait3A_52 : memref<6144xf32, #tpu.memory_space<hbm>>)
        tpu.yield
      }) : () -> ()
    } else {
    }
    return
  }
}

</mosaic_0001>

<sc_bundles>
// kernel: _fps.3.cloned.1.call-start
scs
__scs_entry_jumppad:
0x0: {  	(pc) =	sbr.rel $0x88, $3  }
0x1: {  	(tag) =	ssettag $0x0;
	lr =	simm.s32 $0x1  }
0x2: {  	[smem:$0x3FA0] =	sst lr;
	_ =	strace $0xD0000000  }
0x3: {  	_ = 	snop  }
0x4: {  	_ = 	snop  }
0x5: {  	_ = 	snop  }
0x6: {  	_ = 	snop  }
0x7: {  	_ = 	snop  }
__scs_overlays_trampoline_lowered:
0x8: {  	[smem:$0x3FAF] =	sst s0  }
0x9: {  	[smem:$0x3FB0] =	sst s1  }
0xa: {  	[smem:$0x3FB1] =	sst s2  }
0xb: {  	[smem:$0x3FB2] =	sst s3  }
0xc: {  	[smem:$0x3FB3] =	sst s4  }
0xd: {  	[smem:$0x3FB4] =	sst s5  }
0xe: {  	[smem:$0x3FB5] =	sst s6  }
0xf: {  	[smem:$0x3FB6] =	sst s7  }
0x10: {  	[smem:$0x3FB7] =	sst s8  }
0x11: {  	[smem:$0x3FB8] =	sst s9;
	s0 =	simm.s32 @!p0 $0x0  }
0x12: {  	s1 =	sld [smem:$0x3F9E];
	s0 =	simm.s32 @p0 $0x1  }
0x13: {  	[smem:$0x3FB9] =	sst s0;
	s0 =	simm.s32 @!p1 $0x0  }
0x14: {  	s2 =	sld [smem:$0x3F9D];
	s0 =	simm.s32 @p1 $0x1  }
0x15: {  	[smem:$0x3FBA] =	sst s0;
	s0 =	simm.s32 @!p2 $0x0  }
0x16: {  	s3 =	sld [smem:$0x3FDB];
	s0 =	simm.s32 @p2 $0x1  }
0x17: {  	s4 =	simm.s32 $0x1BF5;
	[smem:$0x3FBC] =	sst s0  }
0x18: {  	s0 =	sld [smem:$0x3F9F];
	_ =	swait.ge [sflag:s4], $0x0  }
0x19: {  	s7 =	sld [smem:$0x3FA0]  }
0x1a: {  	s8 =	sadd.s32 $0xFFFFE003, lr  }
0x1b: {  	s9 =	sadd.s32 $0xFFFFFEF7, lr;
	s5 =	simm.s32 $0xFFFFFFFF;
	p2 =	slt.u32 s8, $0xFFFFF086  }
0x1c: {  	p1 =	slt.u32 s9, $0xF7A;
	s5 =	simm.s32 @!p2 $0x0  }
0x1d: {  	s5 =	simm.s32 @p1 $0x1;
	p0 =	seq.s32 s7, s2  }
0x1e: {  	s7 =	smul.u32 @!p0 $0xF7A, s2;
	p2 =	seq.s32 @!p0 s5, $0x0  }
0x1f: {  	s9 =	smul.u32 $0xF7A, s1;
	s8 =	simm.s32 @!p0 $0x1BF5;
	p2 =	por !p2, p0  }
0x20: {  	[sflag:s8] =	ssyncset.s32 @!p0 $0xFFFFF086;
	s6 =	sadd.s32 @!p0 s3, s7;
	s7 =	simm.s32 @!p0 $0x108  }
0x21: {  	s3 =	sadd.s32 s3, s9;
	s6 =	sadd.s32 @!p0 $0x88, s6;
	s7 =	simm.s32 @p2 $0x1082  }
0x22: {  	[simem:s7], [sflag:s8] =	dma.local @!p0 [hbm:s6], $0xF7A  }
0x23: {  	s9 =	sor.u32 $0xD0000000, s2;
	s6 =	simm.s32 $0x108;
	_ =	swait.ge @!p0 [sflag:s8], $0x0  }
0x24: {  	s3 =	sadd.s32 $0x88, s3;
	s6 =	simm.s32 @!p1 $0x1082;
	[sflag:s4] =	ssyncset.s32 $0xFFFFF086  }
0x25: {  	[simem:s6], [sflag:s4] =	dma.local [hbm:s3], $0xF7A  }
0x26: {  	[smem:$0x3FA0] =	sst s1;
	(tag) =	ssettag s2;
	_ =	strace s9  }
0x27: {  	s1 =	sld [smem:$0x3FB0]  }
0x28: {  	s2 =	sld [smem:$0x3FB1]  }
0x29: {  	s4 =	sld [smem:$0x3FB3]  }
0x2a: {  	p0 =	seq.s32 s5, $0x0;
	s5 =	sld [smem:$0x3FB4]  }
0x2b: {  	s6 =	sld [smem:$0x3FB5]  }
0x2c: {  	s7 =	sld [smem:$0x3FB6]  }
0x2d: {  	s3 =	simm.s32 $0x108;
	s8 =	sld [smem:$0x3FB7]  }
0x2e: {  	s3 =	simm.s32 @!p0 $0x1082;
	s9 =	sld [smem:$0x3FB8]  }
0x2f: {  	lr =	sadd.s32 s0, s3;
	s0 =	sld [smem:$0x3FAF]  }
0x30: {  	s3 =	sld [smem:$0x3FB2]  }
0x31: {  	[smem:$0x3FBB] =	sst s10  }
0x32: {  	s10 =	sld [smem:$0x3FB9];
	_ =	sdelay $0x3  }
0x33: {  	p0 =	seq.s32 s10, $0x1;
	s10 =	sld [smem:$0x3FBB];
	_ =	sdelay $0x3  }
0x34: {  	[smem:$0x3FBB] =	sst s10  }
0x35: {  	s10 =	sld [smem:$0x3FBA];
	_ =	sdelay $0x3  }
0x36: {  	p1 =	seq.s32 s10, $0x1;
	s10 =	sld [smem:$0x3FBB];
	_ =	sdelay $0x3  }
0x37: {  	[smem:$0x3FBB] =	sst s10  }
0x38: {  	s10 =	sld [smem:$0x3FBC]  }
0x39: {  	_ = 	snop;
	(pc) =	sbr.ind lr, $3  }
0x3a: {  	_ = 	snop  }
0x3b: {  	_ = 	snop  }
0x3c: {  	p2 =	seq.s32 s10, $0x1;
	s10 =	sld [smem:$0x3FBB]  }
0x3d: {  	_ =	shalt  }
0x3e: {  	_ =	shalt  }
0x3f: {  	_ =	shalt  }
0x40: {  	_ =	shalt  }
0x41: {  	_ =	shalt  }
0x42: {  	_ =	shalt  }
0x43: {  	_ =	shalt  }
0x44: {  	_ =	shalt  }
0x45: {  	_ =	shalt  }
0x46: {  	_ =	shalt  }
0x47: {  	_ =	shalt  }
0x48: {  	_ =	shalt  }
0x49: {  	_ =	shalt  }
0x4a: {  	_ =	shalt  }
0x4b: {  	_ =	shalt  }
0x4c: {  	_ =	shalt  }
0x4d: {  	_ =	shalt  }
0x4e: {  	_ =	shalt  }
0x4f: {  	_ =	shalt  }
0x50: {  	_ =	shalt  }
0x51: {  	_ =	shalt  }
0x52: {  	_ =	shalt  }
0x53: {  	_ =	shalt  }
0x54: {  	_ =	shalt  }
0x55: {  	_ =	shalt  }
0x56: {  	_ =	shalt  }
0x57: {  	_ =	shalt  }
0x58: {  	_ =	shalt  }
0x59: {  	_ =	shalt  }
0x5a: {  	_ =	shalt  }
0x5b: {  	_ =	shalt  }
0x5c: {  	_ =	shalt  }
0x5d: {  	_ =	shalt  }
0x5e: {  	_ =	shalt  }
0x5f: {  	_ =	shalt  }
0x60: {  	_ =	shalt  }
0x61: {  	_ =	shalt  }
0x62: {  	_ =	shalt  }
0x63: {  	_ =	shalt  }
0x64: {  	_ =	shalt  }
0x65: {  	_ =	shalt  }
0x66: {  	_ =	shalt  }
0x67: {  	_ =	shalt  }
0x68: {  	_ =	shalt  }
0x69: {  	_ =	shalt  }
0x6a: {  	_ =	shalt  }
0x6b: {  	_ =	shalt  }
0x6c: {  	_ =	shalt  }
0x6d: {  	_ =	shalt  }
0x6e: {  	_ =	shalt  }
0x6f: {  	_ =	shalt  }
0x70: {  	_ =	shalt  }
0x71: {  	_ =	shalt  }
0x72: {  	_ =	shalt  }
0x73: {  	_ =	shalt  }
0x74: {  	_ =	shalt  }
0x75: {  	_ =	shalt  }
0x76: {  	_ =	shalt  }
0x77: {  	_ =	shalt  }
0x78: {  	_ =	shalt  }
0x79: {  	_ =	shalt  }
0x7a: {  	_ =	shalt  }
0x7b: {  	_ =	shalt  }
0x7c: {  	_ =	shalt  }
0x7d: {  	_ =	shalt  }
0x7e: {  	_ =	shalt  }
0x7f: {  	_ =	shalt  }
0x80: {  	_ =	shalt  }
0x81: {  	_ =	shalt  }
0x82: {  	_ =	shalt  }
0x83: {  	_ =	shalt  }
0x84: {  	_ =	shalt  }
0x85: {  	_ =	shalt  }
0x86: {  	_ =	shalt  }
0x87: {  	_ =	shalt  }
.Lfunc_end0:
.L_simem_size_0:
called_computation_lowered:
.L_overlay_start_0:
0x88: {  	s2 =	sld [smem:$0x3FD9]  }
0x89: {  	s3 =	sld [smem:$0x3FFE];
	_ =	sdelay $0x1  }
0x8a: {  	s1 =	srdreg.scid  }
0x8b: {  	s0 =	sand.u32 $0x1, s1  }
0x8c: {  	s18 =	sshll.u32 s0, $0xA;
	s2 =	sadd.s32 s3, s2  }
0x8d: {  	s2 =	sadd.s32 s2, s18  }
0x8e: {  	[smem:$0x3FC7] =	sst s2  }
0x8f: {  	_ = 	snop  }
0x90: {  	s2 =	sld [smem:$0x3FC9]  }
0x91: {  	s19 =	sld [smem:$0x3FD0];
	(tm) =	ssettm $0x1  }
0x92: {  	s4 =	sld [smem:$0x3FFB];
	_ =	sdelay $0x3  }
0x93: {  	_ =	strace s4  }
0x94: {  	s4 =	sld [smem:$0x3FFC];
	_ =	sdelay $0x3  }
0x95: {  	_ =	strace s4  }
0x96: {  	s4 =	sld [smem:$0x3FFD];
	_ =	sdelay $0x3  }
0x97: {  	_ =	strace s4  }
0x98: {  	_ =	strace $0x8FFFFFFF  }
0x99: {  	s20 =	sld [smem:$0x3FDB];
	_ =	sdelay $0x1  }
0x9a: {  	s5 =	simm.s32 $_scs_section_size  }
0x9b: {  	s6 =	simm.s32 $_size__tile_overlayer_lowered;
	s7 =	simm.s32 $_tile_overlayer_lowered  }
0x9c: {  	s23 =	simm.s32 $0x1BFF;
	s22 =	sshll.u32 s7, $0x1;
	s4 =	sadd.s32 s5, s20  }
0x9d: {  	s8 =	simm.s32 $0x0;
	s21 =	sshll.u32 s6, $0x1;
	s6 =	sadd.s32 s22, s4  }
0x9e: {  	[timem:s8], [sflag:s23] =	dma.local [hbm:s6], s21  }
0x9f: {  	_ =	swait.ge [sflag:s23], s21  }
0xa0: {  	s5 =	ssub.s32 $0x0, s21;
	[sflag:s23] =	ssyncset.done $0x0  }
0xa1: {  	[sflag:s23] =	ssyncadd.s32 s5;
	_ =	sdelay $0x1  }
0xa2: {  	s24 =	simm.s32 $0x1B8B  }
0xa3: {  	_ =	swait.ge [sflag:s24], $0x1  }
0xa4: {  	[sflag:s24] =	ssyncset.done $0x0  }
0xa5: {  	s25 =	simm.s32 $0x1B8E;
	[sflag:s24] =	ssyncadd.s32 $0xFFFFFFFF  }
0xa6: {  	s26 =	simm.s32 $execute0_lowered;
	[smem:$0x3FD2] =	sst s25  }
0xa7: {  	s5 =	sshll.u32 s26, $0x1;
	_ =	strace $0x80000046;
	[dreg:$0x1] =	wrdreg $0xFFFFFFFF  }
0xa8: {  	s28 =	simm.s32 $_size_execute0_lowered;
	s4 =	sadd.s32 s4, s5;
	[dreg:$0x0] =	wrdreg $0x0  }
0xa9: {  	s5 =	sshll.u32 s28, $0x1;
	[dreg:$0x2] =	wrdreg s4  }
0xaa: {  	[dreg:$0x3] =	wrdreg s5  }
0xab: {  	[dreg:$0x4] =	wrdreg $0xC0  }
0xac: {  	_ =	task [dreg:s8], $0x5FFFF  }
0xad: {  	[dreg:$0x1] =	wrdreg $0xFFFFFFFF  }
0xae: {  	[dreg:$0x0] =	wrdreg $0x60  }
0xaf: {  	[dreg:$0x2] =	wrdreg s2  }
0xb0: {  	[dreg:$0x3] =	wrdreg s19  }
0xb1: {  	[dreg:$0x4] =	wrdreg $0x9  }
0xb2: {  	_ =	task.clear_ibuf [dreg:s8], $0x5FFFF;
	_ =	strace $0x90000046  }
0xb3: {  	s29 =	simm.s32 $0x9;
	_ =	strace $0x80000048  }
0xb4: {  	_ =	swait.ge [sflag:s29], $0x1  }
0xb5: {  	[sflag:s29] =	ssyncadd.s32 $0xFFFFFFFF  }
0xb6: {  	_ =	strace $0x90000048  }
0xb7: {  	_ =	sfence  }
0xb8: {  	s30 =	sld [smem:$0x0];
	_ =	sdelay $0x2  }
0xb9: {  	s31 =	sshll.u32 s1, $0xD;
	s1 =	sshrl.u32 s1, $0x2  }
0xba: {  	s3 =	sand.u32 $0x4000, s31;
	s1 =	sadd.s32 s1, s30  }
0xbb: {  	s0 =	sor.u32 s3, s0;
	s1 =	sshll.u32 s1, $0x11  }
0xbc: {  	s0 =	sor.u32 s1, s0  }
0xbd: {  	s0 =	sadd.s32 $0x8F2B, s0  }
0xbe: {  	[sflag:s0] =	ssyncadd.remote.s32 $0x1  }
0xbf: {  	_ =	sfence.sel $0xFFFF  }
0xc0: {  	[dreg:$0x0] =	wrdreg $0xFFFFFFFF;
	(pc) =	sbr.abs _section_cstart, $3  }
0xc1: {  	[dreg:$0x1] =	wrdreg $0xFFFFFFFF  }
0xc2: {  	_ =	task.clear_ibuf [dreg:s8], $0x2FFFF;
	_ =	strace $0x9FFFFFFF  }
0xc3: {  	(tm) =	ssettm $0x7FFFFFFF  }
tec
execute0_lowered:
.L_overlay_start_1:
0x0: {  	(tag) =	ssettag $0x1  }
0x1: {  	s1 =	stileid.u32  }
0x2: {  	p0 =	sgt.u32 s1, $0x7  }
.Ltmp0:
0x3: {  	_ = 	snop;
	(pc) =	sbr.rel @p0 .LBB2_9-.Ltmp0, $4  }
0x4: {  	s4 =	rddreg [dreg:$0x0]  }
0x5: {  	s3 =	rddreg [dreg:$0x1];
	s2 =	simm.s32 $0x0  }
0x6: {  	[smem:$0x7FF] =	sst s2  }
0x7: {  	s0 =	rddreg [dreg:$0x2];
	_ =	strace $0x80000047  }
0x8: {  	s5 =	srdreg.scid  }
0x9: {  	s5 =	sand.u32 $0x1, s5  }
0xa: {  	s6 =	smul.u32 $0xC000, s5  }
0xb: {  	s8 =	smul.u32 $0x60000, s5;
	s5 =	ssub.s32 $0x2, s5  }
0xc: {  	s7 =	sshll.u32 s1, $0x7;
	s9 =	sshrl.u32 s5, $0x1  }
0xd: {  	s6 =	sor.u32 s7, s6;
	s7 =	sor.u32 s7, s8;
	s5 =	ssub.s32 s5, s9  }
0xe: {  	s8 =	simm.s32 $0x1;
	s9 =	simm.s32 $0x10080;
	s6 =	sshrl.u32 s6, $0x3  }
0xf: {  	s31 =	sshrl.u32 s7, $0x3;
	s5 =	smax.u32 s5, $0x1;
	s7 =	simm.s32 $0x400  }
0x10: {  	v0 =	vimm.f32 $+Inf;
	vm0 =	vcmask $0xB08;
	vm1 =	vmmov $0x1;
	s3 =	sadd.s32 s3, s6;
	s4 =	sadd.s32 s4, s31;
	s6 =	simm.s32 $0x80  }
.LBB2_2:
0x11: {  	s10 =	simm.s32 $0x0  }
0x12: {  	[tilespmem:s10], [sflag:$0x1] =	stream.strided.gather [hbm4b:s4+s6], $0xC000, s7, s6, $0x38;
	[tilespmem:$0x11900] =	vst v63  }
0x13: {  	_ =	swait.ge [sflag:s8], $0xC000  }
0x14: {  	[sflag:s8] =	ssyncset.done $0x0  }
0x15: {  	s11 =	simm.s32 $0x0;
	s10 =	simm.s32 $0x40;
	[sflag:s8] =	ssyncadd.s32 $0xFFFF4000  }
.LBB2_3:
0x16: {  	p0 =	sne.s32 s10, $0xFFC0;
	[tilespmem:s11+$0xC080] =	vst v0;
	s11 =	smov.u32 s10;
	s10 =	sadd.s32 $0x40, s10  }
.Ltmp1:
0x17: {  	(pc) =	sbr.rel @p0 .LBB2_3-.Ltmp1, $2  }
0x18: {  	_ =	sdelay $0x2  }
0x19: {  	s11 =	sshra.s32 s11, $0x2  }
0x1a: {  	[tilespmem:s11+$0xC080] =	vst v0  }
0x1b: {  	v1 =	vld [tilespmem:$0x0]  }
0x1c: {  	v2 =	vld [tilespmem:$0x4000]  }
0x1d: {  	v3 =	vld [tilespmem:$0x8000];
	_ =	sdelay $0x2  }
0x1e: {  	(v2sf) =	vpush v1, $0x0  }
0x1f: {  	(v2sf) =	vpush v2, $0x0  }
0x20: {  	(v2sf) =	vpush v3, $0x0;
	_ =	sdelay $0xc  }
0x21: {  	s13 =	spop (v2sf)  }
0x22: {  	s14 =	spop (v2sf)  }
0x23: {  	s10 =	simm.s32 $0x0;
	s11 =	simm.s32 $0x0;
	s15 =	spop (v2sf)  }
.LBB2_5:
0x24: {  	s12 =	sand.u32 $0x3FC0, s10  }
0x25: {  	v1 =	vld [tilespmem:s12+$0x8000]  }
0x26: {  	v7 =	vld [tilespmem:s12+$0x4000];
	s12 =	simm.s32 $0x0  }
0x27: {  	v8 =	vld [tilespmem:s12+$0x8010]  }
0x28: {  	v9 =	vld [tilespmem:s12+$0x8030]  }
0x29: {  	v10 =	vld [tilespmem:s12+$0x30]  }
0x2a: {  	v11 =	vld [tilespmem:s12+$0x10]  }
0x2b: {  	v12 =	vld [tilespmem:s12+$0x0]  }
0x2c: {  	v17 =	vld [tilespmem:s12+$0x4030]  }
0x2d: {  	v5 =	vmov s15;
	v6 =	vmov s14;
	v13 =	vld [tilespmem:s12+$0x8020]  }
0x2e: {  	v4 =	vmov s13;
	v19 =	vld [tilespmem:s12+$0x4020];
	v16 =	vsub.f32 v1, v5;
	v7 =	vsub.f32 v7, v6  }
0x2f: {  	v2 =	vimm.f32 $-Inf;
	v18 =	vsub.f32 v8, v5;
	v8 =	vsub.f32 v10, v4  }
0x30: {  	v3 =	vimm.s32 $0x0;
	v20 =	vld [tilespmem:s12+$0x20];
	v9 =	vsub.f32 v9, v5;
	v12 =	vsub.f32 v12, v4  }
0x31: {  	v1 =	vlaneseq.u32;
	v11 =	vsub.f32 v11, v4;
	v17 =	vsub.f32 v17, v6  }
0x32: {  	v10 =	vld [tilespmem:s12+$0x4010];
	v13 =	vsub.f32 v13, v5;
	v7 =	vmul.f32 v7, v7;
	v12 =	vmul.f32 v12, v12  }
0x33: {  	v19 =	vsub.f32 v19, v6;
	v15 =	vmul.f32 v8, v8;
	v14 =	vmul.f32 v9, v9  }
0x34: {  	v9 =	vmul.f32 v16, v16;
	v23 =	vmul.f32 v18, v18;
	v18 =	vadd.f32 v7, v12  }
0x35: {  	v20 =	vsub.f32 v20, v4;
	v11 =	vmul.f32 v11, v11;
	v16 =	vmul.f32 v13, v13  }
0x36: {  	v13 =	vmin.f32 v12, v7;
	v7 =	vmax.f32 v12, v7;
	v12 =	vadd.f32 v9, v18  }
0x37: {  	v10 =	vsub.f32 v10, v6;
	v21 =	vmin.f32 v18, v9;
	v9 =	vmax.f32 v18, v9  }
0x38: {  	v30 =	vmul.f32 v17, v17;
	v7 =	vsub.f32 v7, v18;
	v9 =	vsub.f32 v9, v12  }
0x39: {  	v8 =	vadd.s32 $0x40, v1;
	v18 =	vmul.f32 v19, v19;
	v10 =	vmul.f32 v10, v10  }
0x3a: {  	v19 =	vmul.f32 v20, v20;
	v7 =	vadd.f32 v7, v13;
	v9 =	vadd.f32 v9, v21  }
0x3b: {  	v29 =	vmax.f32 v15, v30;
	v28 =	vadd.f32 v30, v15;
	v13 =	vadd.f32 v10, v11  }
0x3c: {  	v22 =	vadd.f32 v18, v19;
	v24 =	vmax.f32 v11, v10;
	v7 =	vadd.f32 v9, v7  }
0x3d: {  	v10 =	vmin.f32 v11, v10;
	v20 =	vadd.f32 v23, v13;
	v11 =	vmax.f32 v13, v23  }
0x3e: {  	v9 =	vsub.f32 v24, v13;
	v25 =	vadd.f32 v7, v12;
	v7 =	vmin.f32 v13, v23;
	v23 =	vld [tilespmem:s12+$0xC080]  }
0x3f: {  	v26 =	vmax.f32 v19, v18;
	v21 =	vmin.f32 v19, v18;
	v18 =	vadd.f32 v16, v22  }
0x40: {  	v11 =	vsub.f32 v11, v20;
	v24 =	vadd.f32 v9, v10;
	v13 =	vimm.f32 $-Inf  }
0x41: {  	v17 =	vld [tilespmem:s12+$0xC0B0];
	v12 =	vimm.s32 $0x0;
	v10 =	vimm.f32 $-Inf;
	v9 =	vimm.f32 $-Inf  }
0x42: {  	s13 =	simm.s32 $0x0;
	s14 =	simm.s32 $0x100;
	s15 =	simm.s32 $0x40;
	v19 =	vld [tilespmem:s12+$0xC0A0];
	v27 =	vadd.f32 v11, v7;
	v7 =	vimm.s32 $0x0;
	v11 =	vimm.s32 $0x0  }
.LBB2_6:
0x43: {  	s16 =	sshra.s32 s14, $0x2;
	s17 =	sand.u32 $0x3FC0, s15;
	s13 =	sadd.s32 $0x4, s13;
	v23 =	vmin.f32 v25, v23;
	v25 =	vld [tilespmem:s12+$0xC090];
	v26 =	vsub.f32 v26, v22;
	v15 =	vmin.f32 v15, v30  }
0x44: {  	v30 =	vld [tilespmem:s17+$0x8000];
	p0 =	slt.u32 s13, $0x3FC;
	[tilespmem:s12+$0xC080] =	vst v23;
	vm2 =	vgt.f32 v23, v2;
	v2 =	vmax.f32 v23, v2;
	v23 =	vmax.f32 v22, v16  }
0x45: {  	v32 =	vadd.f32 v14, v28;
	v31 =	vld [tilespmem:s16+$0x8010];
	v3 =	vsel vm2, v1, v3;
	v23 =	vsub.f32 v23, v18  }
0x46: {  	v29 =	vsub.f32 v29, v28;
	v34 =	vmax.f32 v28, v14;
	v14 =	vmin.f32 v28, v14;
	v33 =	vld [tilespmem:s16+$0x8030]  }
0x47: {  	v24 =	vadd.f32 v27, v24;
	v16 =	vmin.f32 v22, v16;
	v22 =	vsub.f32 v34, v32;
	v28 =	vld [tilespmem:s16+$0x30]  }
0x48: {  	v21 =	vadd.f32 v26, v21;
	v16 =	vadd.f32 v23, v16;
	v27 =	vld [tilespmem:s16+$0x8020]  }
0x49: {  	v20 =	vadd.f32 v24, v20;
	v24 =	vadd.s32 $0x20, v1;
	v23 =	vsub.f32 v30, v5;
	v26 =	vld [tilespmem:s16+$0x10]  }
0x4a: {  	v34 =	vadd.s32 $0x10, v1;
	v14 =	vadd.f32 v22, v14;
	v30 =	vsub.f32 v31, v5;
	v31 =	vld [tilespmem:s16+$0x4030]  }
0x4b: {  	v20 =	vmin.f32 v20, v25;
	v16 =	vadd.f32 v16, v21;
	v21 =	vadd.f32 v29, v15;
	v22 =	vld [tilespmem:s16+$0x0]  }
0x4c: {  	vm2 =	vgt.f32 v20, v13;
	v13 =	vmax.f32 v20, v13;
	v25 =	vld [tilespmem:s17+$0x4000];
	v15 =	vsub.f32 v28, v4;
	[tilespmem:s12+$0xC090] =	vst v20  }
0x4d: {  	v12 =	vsel vm2, v34, v12;
	v16 =	vadd.f32 v16, v18;
	v28 =	vsub.f32 v33, v5;
	v20 =	vld [tilespmem:s16+$0x4020]  }
0x4e: {  	v29 =	vadd.s32 $0x30, v1;
	v1 =	vmovc v8;
	v21 =	vadd.f32 v14, v21;
	v18 =	vld [tilespmem:s16+$0x20];
	v15 =	vmul.f32 v15, v15  }
0x4f: {  	v8 =	vadd.s32 $0x40, v8;
	v19 =	vmin.f32 v16, v19;
	v26 =	vsub.f32 v26, v4;
	v33 =	vld [tilespmem:s16+$0x4010]  }
0x50: {  	v14 =	vmul.f32 v28, v28;
	v31 =	vsub.f32 v31, v6;
	v16 =	vsub.f32 v22, v4;
	[tilespmem:s12+$0xC0A0] =	vst v19  }
0x51: {  	v23 =	vmul.f32 v23, v23;
	v21 =	vadd.f32 v21, v32;
	v22 =	vsub.f32 v25, v6  }
0x52: {  	vm2 =	vgt.f32 v19, v10;
	v25 =	vmul.f32 v26, v26;
	v26 =	vsub.f32 v27, v5  }
0x53: {  	v27 =	vmul.f32 v16, v16;
	v20 =	vsub.f32 v20, v6;
	v22 =	vmul.f32 v22, v22  }
0x54: {  	v32 =	vmul.f32 v30, v30;
	v17 =	vmin.f32 v21, v17;
	v28 =	vsub.f32 v33, v6  }
0x55: {  	vm3 =	vgt.f32 v17, v9;
	v16 =	vmul.f32 v26, v26;
	v21 =	vadd.f32 v22, v27  }
0x56: {  	v18 =	vsub.f32 v18, v4;
	v26 =	vmin.f32 v27, v22;
	v28 =	vmul.f32 v28, v28;
	[tilespmem:s12+$0xC0B0] =	vst v17;
	s12 =	smov.u32 s16  }
0x57: {  	v9 =	vmax.f32 v17, v9;
	v22 =	vmax.f32 v27, v22;
	v27 =	vadd.f32 v23, v21  }
0x58: {  	v30 =	vmul.f32 v20, v20;
	v17 =	vsub.f32 v22, v21;
	v22 =	vmin.f32 v21, v23  }
0x59: {  	v7 =	vsel vm3, v29, v7;
	v20 =	vmax.f32 v21, v23;
	v33 =	vmax.f32 v25, v28  }
0x5a: {  	v18 =	vmul.f32 v18, v18;
	v17 =	vadd.f32 v17, v26;
	v20 =	vsub.f32 v20, v27  }
0x5b: {  	v11 =	vsel vm2, v24, v11;
	v29 =	vmin.f32 v25, v28;
	v28 =	vadd.f32 v28, v25  }
0x5c: {  	v21 =	vmin.f32 v18, v30;
	v24 =	vadd.f32 v20, v22;
	v22 =	vadd.f32 v30, v18  }
.Ltmp2:
0x5d: {  	v10 =	vmax.f32 v19, v10;
	v26 =	vmax.f32 v18, v30;
	v20 =	vadd.f32 v32, v28;
	v23 =	vld [tilespmem:s12+$0xC080];
	(pc) =	sbr.rel @p0 .LBB2_6-.Ltmp2, $4  }
0x5e: {  	v19 =	vsub.f32 v33, v28;
	v18 =	vmax.f32 v28, v32;
	v17 =	vadd.f32 v24, v17  }
0x5f: {  	v30 =	vmul.f32 v31, v31;
	v33 =	vsub.f32 v18, v20;
	v18 =	vadd.f32 v16, v22  }
0x60: {  	v24 =	vadd.f32 v19, v29;
	v19 =	vmin.f32 v28, v32;
	v25 =	vadd.f32 v17, v27;
	v17 =	vld [tilespmem:s12+$0xC0B0]  }
0x61: {  	s14 =	sadd.s32 $0x100, s14;
	s15 =	sadd.s32 $0x40, s15;
	v29 =	vmax.f32 v15, v30;
	v28 =	vadd.f32 v30, v15;
	v27 =	vadd.f32 v33, v19;
	v19 =	vld [tilespmem:s12+$0xC0A0]  }
0x62: {  	v4 =	vsub.f32 v26, v22  }
0x63: {  	v5 =	vmin.f32 v15, v30;
	v6 =	vmax.f32 v22, v16;
	v8 =	vadd.f32 v14, v28  }
0x64: {  	v6 =	vsub.f32 v6, v18;
	v47 =	vadd.f32 v27, v24;
	v48 =	vmax.f32 v28, v14  }
0x65: {  	v50 =	vmin.f32 v22, v16;
	v49 =	vsub.f32 v29, v28;
	v51 =	vsub.f32 v48, v8  }
0x66: {  	v52 =	vld [tilespmem:s12+$0xC090];
	v53 =	vmin.f32 v28, v14;
	v4 =	vadd.f32 v4, v21;
	v6 =	vadd.f32 v6, v50  }
0x67: {  	v5 =	vadd.f32 v49, v5;
	v14 =	vadd.f32 v51, v53  }
0x68: {  	v4 =	vadd.f32 v6, v4  }
0x69: {  	v54 =	vadd.f32 v47, v20;
	v5 =	vadd.f32 v14, v5  }
0x6a: {  	v4 =	vadd.f32 v4, v18  }
0x6b: {  	v55 =	vmin.f32 v25, v23;
	v6 =	vmin.f32 v54, v52;
	v5 =	vadd.f32 v5, v8  }
0x6c: {  	v56 =	vmax.f32 v55, v2;
	v57 =	vmax.f32 v6, v13;
	v4 =	vmin.f32 v4, v19  }
0x6d: {  	v59 =	vmax.f32 v56, v57;
	v58 =	vmax.f32 v4, v10;
	v5 =	vmin.f32 v5, v17  }
0x6e: {  	v17 =	vmax.f32 v59, v58;
	v60 =	vmax.f32 v5, v9  }
0x6f: {  	v17 =	vmax.f32 v17, v60  }
0x70: {  	(xrf0) =	vmax.scan.msk.f32 $0xffff, v17;
	_ =	sdelay $0x5  }
0x71: {  	v17, _, _ =	vpop (xrf0)  }
0x72: {  	v17 =	vbroadcast v17, $0xF  }
0x73: {  	v61 =	vadd.s32 $0x10, v1;
	vm2 =	vgt.f32 v6, v13  }
0x74: {  	vm3 =	vgt.f32 v55, v2;
	v2 =	vsel vm2, v61, v12;
	vm2 =	veq.f32 v57, v17  }
0x75: {  	v3 =	vsel vm3, v1, v3;
	v2 =	vnsel vm2, $0x7FFFFFFF, v2  }
0x76: {  	v62 =	vadd.s32 $0x20, v1;
	vm2 =	vlt.s32 v3, v2  }
0x77: {  	vm3 =	vgt.f32 v4, v10;
	v3 =	vsel vm2, v3, v2;
	vm2 =	veq.f32 v56, v17  }
0x78: {  	v63 =	vsel vm3, v62, v11;
	v2 =	vsel vm2, v3, v2  }
0x79: {  	v1 =	vadd.s32 $0x30, v1;
	vm2 =	vlt.s32 v2, v63  }
0x7a: {  	vm3 =	vgt.f32 v5, v9;
	v3 =	vsel vm2, v2, v63;
	vm2 =	veq.f32 v58, v17  }
0x7b: {  	v1 =	vsel vm3, v1, v7;
	v2 =	vsel vm2, v3, v2  }
0x7c: {  	vm2 =	vlt.s32 v2, v1  }
0x7d: {  	vm3 =	veq.f32 v60, v17;
	v1 =	vsel vm2, v2, v1  }
0x7e: {  	v1 =	vsel vm3, v1, v2  }
0x7f: {  	v1 =	vxor.u32 $0x80000000, v1  }
0x80: {  	(xrf0) =	vmin.scan.msk.u32 $0xffff, v1;
	_ =	sdelay $0x5  }
0x81: {  	v1, _, _ =	vpop (xrf0)  }
0x82: {  	(v2sf) =	vpush v1, $0xF;
	_ =	sdelay $0xc  }
0x83: {  	[tilespmem:s12+$0xC080] =	vst v55  }
0x84: {  	[tilespmem:s12+$0xC090] =	vst v6  }
0x85: {  	[tilespmem:s12+$0xC0A0] =	vst v4;
	s13 =	spop (v2sf)  }
0x86: {  	[tilespmem:s12+$0xC0B0] =	vst v5;
	s30 =	sxor.u32 $0x80000000, s13  }
0x87: {  	v1 =	vld [tilespmem:s30+$0x0]  }
0x88: {  	v2 =	vld [tilespmem:s13+$0x4000]  }
0x89: {  	v3 =	vld [tilespmem:s13+$0x8000];
	_ =	sdelay $0x2  }
0x8a: {  	(v2sf) =	vpush v1, $0x0  }
0x8b: {  	(v2sf) =	vpush v2, $0x0  }
0x8c: {  	(v2sf) =	vpush v3, $0x0;
	_ =	sdelay $0x8  }
0x8d: {  	s31 =	smul.u32 $0xC, s11;
	s11 =	sadd.s32 $0x1, s11  }
0x8e: {  	p0 =	sne.s32 s11, $0x800  }
.Ltmp3:
0x8f: {  	v2 =	vbroadcast v2, $0x0;
	v3 =	vbroadcast v3, $0x0;
	(pc) =	sbr.rel @p0 .LBB2_5-.Ltmp3, $4  }
0x90: {  	_ = 	snop  }
0x91: {  	v2 =	vsel vm0, v3, v2;
	s13 =	spop (v2sf)  }
0x92: {  	s12 =	sshra.s32 s31, $0x2;
	v1 =	vsel vm1, v1, v2;
	s14 =	spop (v2sf)  }
0x93: {  	[tilespmem:s12+$0x10080] =	vst.msk $0x7, v1;
	s15 =	spop (v2sf)  }
0x94: {  	s2 =	sadd.s32 $0x1, s2  }
0x95: {  	p0 =	sne.s32 s2, s5  }
.Ltmp4:
0x96: {  	_ = 	snop;
	(pc) =	sbr.rel @p0 .LBB2_2-.Ltmp4, $4  }
0x97: {  	[hbm4b:s3+s6] =	stream.strided.scatter [tilespmem:s9], [sflag:$0x1], $0x1800, s7, s6, $0x38;
	[tilespmem:$0x11900] =	vst v63  }
0x98: {  	_ =	swait.ge [sflag:s8], $0x1800  }
0x99: {  	[sflag:s8] =	ssyncset.done $0x0  }
0x9a: {  	[sflag:s8] =	ssyncadd.s32 $0xFFFFE800  }
.LBB2_9:
0x9b: {  	_ =	sfence.sel $0x180000  }
0x9c: {  	[bflag:$0x0] =	sbarrier.arrive $0xFFFF  }
0x9d: {  	p0 =	sne.s32 s1, $0x0;
	_ =	strace $0x90000047  }
0x9e: {  	s0 =	sadd.s32 @!p0 $0x100000, s0;
	[bflag:$0x2] =	sbarrier.arrive $0xFFFF  }
0x9f: {  	[sflag:s0] =	ssyncadd.tile.s32 @!p0 $0x1;
	_ =	shalt  }
.Lfunc_end2:
_tile_overlayer_lowered:
.L_overlay_start_2:
0xa0: {  	(tag) =	ssettag $0x2  }
0xa1: {  	s0 =	rddreg [dreg:$0x0];
	s2 =	stileid.u32  }
0xa2: {  	s1 =	rddreg [dreg:$0x1];
	p0 =	sne.s32 s2, $0x0  }
0xa3: {  	s3 =	rddreg [dreg:$0x2];
	[bflag:$0x3] =	sbarrier.arrive $0xFFFF;
	s2 =	simm.s32 @!p0 $0x1C01  }
0xa4: {  	[timem:s3], [sflag:s2] =	dma.local @!p0 [hbm:s0], s1  }
0xa5: {  	s0 =	simm.s32 @!p0 $0x1  }
0xa6: {  	_ =	swait.ge @!p0 [sflag:s0], s1  }
0xa7: {  	s1 =	ssub.s32 @!p0 $0x0, s1;
	[sflag:s0] =	ssyncset.done @!p0 $0x0  }
0xa8: {  	[sflag:s0] =	ssyncadd.s32 @!p0 s1  }
0xa9: {  	[bflag:$0x3] =	sbarrier.arrive $0xFFFF  }
0xaa: {  	_ =	shalt  }

</sc_bundles>
